<compile_context>
chip_gen: v7x
topology: tpu7x:2x2x1
jax: 0.10.2.dev20260603
libtpu: 0.0.44.dev20260713+nightly
codegen_flags: <defaults>
</compile_context>

<pallas_src>
import jax
import jax.numpy as jnp
from jax import lax
from jax.experimental import pallas as pl
from jax.experimental.pallas import tpu as pltpu
from jax.experimental.pallas import tpu_sc as plsc

VOCAB = 1000000
EMBED_DIM = 32
BATCH = 16384
LO_ROWS = 65536
N_HI = 16

NUM_CORES = 2
NUM_SUBCORES = 16
LANES = 16
NW = NUM_CORES * NUM_SUBCORES
UNROLL = 4


def _sc_body(inp_hbm, lo_hbm, hi_hbm, out_hbm, ids_v, col_v, hi16_v, out_v,
             sem):
    d = lax.axis_index("s") * NUM_CORES + lax.axis_index("c")

    ids_cp = pltpu.async_copy(inp_hbm, ids_v, sem)
    col_cp = pltpu.async_copy(lo_hbm.at[d >> 3, :, d & 7], col_v, sem)
    hi_cp = pltpu.async_copy(hi_hbm.at[d], hi16_v, sem)
    ids_cp.wait()
    col_cp.wait()
    hi_cp.wait()

    def serve(g, carry):
        for j in range(UNROLL):
            off = (g * UNROLL + j) * LANES
            ids = ids_v[pl.ds(off, LANES)]
            lo = ids & 65535
            k = ids >> 16
            out_v[pl.ds(off, LANES)] = (
                plsc.load_gather(col_v, [lo >> 7, lo & 127])
                + plsc.load_gather(hi16_v, [k])
            )
        return carry

    lax.fori_loop(0, BATCH // (LANES * UNROLL), serve, 0)

    pltpu.sync_copy(out_v, out_hbm.at[d])


@jax.jit
def _compositional_embedding(inputs, table):
    tbl_t = jnp.transpose(table)
    lo_t = lax.slice(tbl_t, (0, 0), (EMBED_DIM, LO_ROWS))
    lo4 = jnp.transpose(jnp.reshape(lo_t, (4, 8, 512, 128)), (0, 2, 1, 3))
    hi_t = jnp.take(
        tbl_t, jnp.arange(0, N_HI * LO_ROWS, LO_ROWS, dtype=jnp.int32),
        axis=1)

    mesh = plsc.VectorSubcoreMesh(core_axis_name="c", subcore_axis_name="s")
    f = pl.kernel(
        _sc_body,
        out_type=jax.ShapeDtypeStruct((EMBED_DIM, BATCH), jnp.float32),
        mesh=mesh,
        scratch_types=[
            pltpu.VMEM((BATCH,), jnp.int32),
            pltpu.VMEM((LO_ROWS // 128, 128), jnp.float32),
            pltpu.VMEM((N_HI,), jnp.float32),
            pltpu.VMEM((BATCH,), jnp.float32),
            pltpu.SemaphoreType.DMA,
        ],
        compiler_params=pltpu.CompilerParams(
            use_tc_tiling_on_sc=False, needs_layout_passes=False
        ),
    )
    out_t = f(inputs, lo4, hi_t)
    return jnp.transpose(out_t)


def kernel(inputs, table):
    return _compositional_embedding(inputs, table)

# --- scband reference (transcript-rebuilt; emitter-appended) ---
"""Pipeline reference for scband-compositional-embedding-28355374088881 (READ-ONLY COPY).

The authoritative reference and input builder live on the scoring server;
editing this copy changes nothing except your own understanding.
"""

import jax, jax.numpy as jnp
import numpy as np

# CompositionalEmbedding (Q-R, add) with key_dtype=int32, composition_size=2.
# factor2decimal(2) for a 32-bit key gives two complementary bit masks:
#   mask0 = high 16 bits = 0xFFFF0000 -> as signed int32: -65536
#   mask1 = low 16 bits  = 0x0000FFFF -> 65535
MASKS = (-65536, 65535)
VOCAB = 1000000
EMBED_DIM = 32
BATCH = 16384


def setup_inputs(seed: int = 0) -> dict:
    key = jax.random.key(seed)
    k1, k2 = jax.random.split(key)
    inputs = jax.random.randint(k1, (BATCH,), 0, VOCAB, dtype=jnp.int32)
    # EmbeddingVariable is a dynamic hash-table embedding; since all masked keys
    # fall in [0, VOCAB), we model it as a dense table of VOCAB rows.
    table = jax.random.normal(k2, (VOCAB, EMBED_DIM), dtype=jnp.float32) * 0.01
    return {"inputs": inputs, "table": table}


def reference(inputs, table):
    # ids_QRP = [inputs & mask for mask in composition_factor]  -> stacked [P, B]
    ids = jnp.stack([jnp.bitwise_and(inputs, jnp.int32(m)) for m in MASKS], axis=0)
    # composition_emb(ids_QRP) -> [P, B, D]; split along axis 0 and squeeze
    emb = jnp.take(table, ids, axis=0)  # [P, B, D]
    # operation == 'add': tf.add_n over the P partition embeddings
    out = jnp.sum(emb, axis=0)  # [B, D]
    return out

if __name__ == "__main__":
    import jax
    _d = setup_inputs()
    print(jax.jit(kernel)(*tuple(_d.values())))

</pallas_src>

<mosaic_0001>
#map = affine_map<(d0, d1) -> (0)>
#map1 = affine_map<(d0, d1) -> (0, 0, 0, 0)>
#map2 = affine_map<(d0, d1) -> (0, 0)>
module attributes {stable_mosaic.version = 14 : i64} {
  func.func @_sc_body(%arg0: i32, %arg1: i32, %arg2: memref<16384xi32, #tpu.memory_space<hbm>>, %arg3: memref<4x512x8x128xf32, #tpu.memory_space<hbm>>, %arg4: memref<32x16xf32, #tpu.memory_space<hbm>>, %arg5: memref<32x16384xf32, #tpu.memory_space<hbm>>, %arg6: memref<16384xi32, #tpu.memory_space<vmem>>, %arg7: memref<512x128xf32, #tpu.memory_space<vmem>>, %arg8: memref<16xf32, #tpu.memory_space<vmem>>, %arg9: memref<16384xf32, #tpu.memory_space<vmem>>, %arg10: memref<!tpu.dma_semaphore, #tpu.memory_space<semaphore_mem>>) attributes {dimension_semantics = [#tpu.dimension_semantics<core_parallel>, #tpu.dimension_semantics<subcore_parallel>], iteration_bounds = array<i64: 2, 16>, scalar_prefetch = 0 : i64, scratch_operands = 5 : i64, tpu.core_type = #tpu.core_type<sc_vector_subcore>, window_params = [{transform_indices = #map}, {transform_indices = #map1}, {transform_indices = #map2}, {transform_indices = #map2}]} {
    %mul3A = arith.constant 2 : i32
    %mul3A_0 = arith.muli %arg1, %mul3A : i32
    %add3A = arith.addi %mul3A_0, %arg0 : i32
    tpu.enqueue_dma source(%arg2 : memref<16384xi32, #tpu.memory_space<hbm>>) target(%arg6 : memref<16384xi32, #tpu.memory_space<vmem>>) target_semaphore(%arg10 : memref<!tpu.dma_semaphore, #tpu.memory_space<semaphore_mem>>)
    %shift_right_arithmetic3A = arith.constant 3 : i32
    %shift_right_arithmetic3A_1 = arith.shrsi %add3A, %shift_right_arithmetic3A : i32
    %and3A = arith.constant 7 : i32
    %and3A_2 = arith.andi %add3A, %and3A : i32
    %dma_start3A = arith.constant 0 : i32
    %dma_start3A_3 = arith.constant 0 : i32
    %dma_start3A_4 = tpu.memref_slice %arg3[%shift_right_arithmetic3A_1, %dma_start3A, %and3A_2, %dma_start3A_3] : memref<4x512x8x128xf32, #tpu.memory_space<hbm>> -> memref<1x512x1x128xf32, #tpu.memory_space<hbm>>
    %dma_start3A_5 = tpu.memref_squeeze %dma_start3A_4 : memref<1x512x1x128xf32, #tpu.memory_space<hbm>> -> memref<512x128xf32, #tpu.memory_space<hbm>>
    %dma_start3A_6 = arith.constant 0 : i32
    %dma_start3A_7 = arith.constant 0 : i32
    %dma_start3A_8 = tpu.memref_slice %arg3[%shift_right_arithmetic3A_1, %dma_start3A_6, %and3A_2, %dma_start3A_7] : memref<4x512x8x128xf32, #tpu.memory_space<hbm>> -> memref<1x512x1x128xf32, #tpu.memory_space<hbm>>
    %dma_start3A_9 = tpu.memref_squeeze %dma_start3A_8 : memref<1x512x1x128xf32, #tpu.memory_space<hbm>> -> memref<512x128xf32, #tpu.memory_space<hbm>>
    tpu.enqueue_dma source(%dma_start3A_9 : memref<512x128xf32, #tpu.memory_space<hbm>>) target(%arg7 : memref<512x128xf32, #tpu.memory_space<vmem>>) target_semaphore(%arg10 : memref<!tpu.dma_semaphore, #tpu.memory_space<semaphore_mem>>)
    %dma_start3A_10 = arith.constant 0 : i32
    %dma_start3A_11 = tpu.memref_slice %arg4[%add3A, %dma_start3A_10] : memref<32x16xf32, #tpu.memory_space<hbm>> -> memref<1x16xf32, #tpu.memory_space<hbm>>
    %dma_start3A_12 = tpu.memref_squeeze %dma_start3A_11 : memref<1x16xf32, #tpu.memory_space<hbm>> -> memref<16xf32, #tpu.memory_space<hbm>>
    %dma_start3A_13 = arith.constant 0 : i32
    %dma_start3A_14 = tpu.memref_slice %arg4[%add3A, %dma_start3A_13] : memref<32x16xf32, #tpu.memory_space<hbm>> -> memref<1x16xf32, #tpu.memory_space<hbm>>
    %dma_start3A_15 = tpu.memref_squeeze %dma_start3A_14 : memref<1x16xf32, #tpu.memory_space<hbm>> -> memref<16xf32, #tpu.memory_space<hbm>>
    tpu.enqueue_dma source(%dma_start3A_15 : memref<16xf32, #tpu.memory_space<hbm>>) target(%arg8 : memref<16xf32, #tpu.memory_space<vmem>>) target_semaphore(%arg10 : memref<!tpu.dma_semaphore, #tpu.memory_space<semaphore_mem>>)
    tpu.wait_dma2 semaphore(%arg10 : memref<!tpu.dma_semaphore, #tpu.memory_space<semaphore_mem>>) src(%arg2 : memref<16384xi32, #tpu.memory_space<hbm>>) dst(%arg6 : memref<16384xi32, #tpu.memory_space<vmem>>)
    %dma_wait3A = arith.constant 0 : i32
    %dma_wait3A_16 = arith.constant 0 : i32
    %dma_wait3A_17 = tpu.memref_slice %arg3[%shift_right_arithmetic3A_1, %dma_wait3A, %and3A_2, %dma_wait3A_16] : memref<4x512x8x128xf32, #tpu.memory_space<hbm>> -> memref<1x512x1x128xf32, #tpu.memory_space<hbm>>
    %dma_wait3A_18 = tpu.memref_squeeze %dma_wait3A_17 : memref<1x512x1x128xf32, #tpu.memory_space<hbm>> -> memref<512x128xf32, #tpu.memory_space<hbm>>
    %dma_wait3A_19 = arith.constant 0 : i32
    %dma_wait3A_20 = arith.constant 0 : i32
    %dma_wait3A_21 = tpu.memref_slice %arg3[%shift_right_arithmetic3A_1, %dma_wait3A_19, %and3A_2, %dma_wait3A_20] : memref<4x512x8x128xf32, #tpu.memory_space<hbm>> -> memref<1x512x1x128xf32, #tpu.memory_space<hbm>>
    %dma_wait3A_22 = tpu.memref_squeeze %dma_wait3A_21 : memref<1x512x1x128xf32, #tpu.memory_space<hbm>> -> memref<512x128xf32, #tpu.memory_space<hbm>>
    tpu.wait_dma2 semaphore(%arg10 : memref<!tpu.dma_semaphore, #tpu.memory_space<semaphore_mem>>) src(%dma_wait3A_22 : memref<512x128xf32, #tpu.memory_space<hbm>>) dst(%arg7 : memref<512x128xf32, #tpu.memory_space<vmem>>)
    %dma_wait3A_23 = arith.constant 0 : i32
    %dma_wait3A_24 = tpu.memref_slice %arg4[%add3A, %dma_wait3A_23] : memref<32x16xf32, #tpu.memory_space<hbm>> -> memref<1x16xf32, #tpu.memory_space<hbm>>
    %dma_wait3A_25 = tpu.memref_squeeze %dma_wait3A_24 : memref<1x16xf32, #tpu.memory_space<hbm>> -> memref<16xf32, #tpu.memory_space<hbm>>
    %dma_wait3A_26 = arith.constant 0 : i32
    %dma_wait3A_27 = tpu.memref_slice %arg4[%add3A, %dma_wait3A_26] : memref<32x16xf32, #tpu.memory_space<hbm>> -> memref<1x16xf32, #tpu.memory_space<hbm>>
    %dma_wait3A_28 = tpu.memref_squeeze %dma_wait3A_27 : memref<1x16xf32, #tpu.memory_space<hbm>> -> memref<16xf32, #tpu.memory_space<hbm>>
    tpu.wait_dma2 semaphore(%arg10 : memref<!tpu.dma_semaphore, #tpu.memory_space<semaphore_mem>>) src(%dma_wait3A_28 : memref<16xf32, #tpu.memory_space<hbm>>) dst(%arg8 : memref<16xf32, #tpu.memory_space<vmem>>)
    %scan3A = arith.constant 0 : i32
    %scan3A_29 = arith.constant 0 : i32
    %scan3A_30 = arith.constant 256 : i32
    %scan3A_31 = arith.addi %scan3A_29, %scan3A_30 : i32
    %scan3A_32 = arith.constant 1 : i32
    scf.for %scan3A_34 = %scan3A_29 to %scan3A_31 step %scan3A_32  : i32 {
      %mul3A_35 = arith.constant 4 : i32
      %mul3A_36 = arith.muli %scan3A_34, %mul3A_35 : i32
      %add3A_37 = arith.constant 0 : i32
      %add3A_38 = arith.addi %mul3A_36, %add3A_37 : i32
      %mul3A_39 = arith.constant 16 : i32
      %mul3A_40 = arith.muli %add3A_38, %mul3A_39 : i32
      %get3A = arith.index_cast %mul3A_40 : i32 to index
      %get3A_41 = tpu.vector_load %arg6[%get3A] {strides = array<i32>} : memref<16384xi32, #tpu.memory_space<vmem>>, vector<16xi32>,
      %and3A_42 = arith.constant 65535 : i32
      %and3A_43 = vector.broadcast %and3A_42 : i32 to vector<16xi32>
      %and3A_44 = arith.andi %get3A_41, %and3A_43 : vector<16xi32>
      %shift_right_arithmetic3A_45 = arith.constant 16 : i32
      %shift_right_arithmetic3A_46 = vector.broadcast %shift_right_arithmetic3A_45 : i32 to vector<16xi32>
      %shift_right_arithmetic3A_47 = arith.shrsi %get3A_41, %shift_right_arithmetic3A_46 : vector<16xi32>
      %shift_right_arithmetic3A_48 = arith.constant 7 : i32
      %shift_right_arithmetic3A_49 = vector.broadcast %shift_right_arithmetic3A_48 : i32 to vector<16xi32>
      %shift_right_arithmetic3A_50 = arith.shrsi %and3A_44, %shift_right_arithmetic3A_49 : vector<16xi32>
      %and3A_51 = arith.constant 127 : i32
      %and3A_52 = vector.broadcast %and3A_51 : i32 to vector<16xi32>
      %and3A_53 = arith.andi %and3A_44, %and3A_52 : vector<16xi32>
      %gather3A = tpu.vector_load_idx %arg7[%shift_right_arithmetic3A_50, %and3A_53] : memref<512x128xf32, #tpu.memory_space<vmem>>[vector<16xi32>, vector<16xi32>], vector<16xf32>,
      %gather3A_54 = tpu.vector_load_idx %arg8[%shift_right_arithmetic3A_47] : memref<16xf32, #tpu.memory_space<vmem>>[vector<16xi32>], vector<16xf32>,
      %add3A_55 = arith.addf %gather3A, %gather3A_54 : vector<16xf32>
      %swap3A = arith.index_cast %mul3A_40 : i32 to index
      %swap3A_56 = tpu.vector_load %arg9[%swap3A] {strides = array<i32>} : memref<16384xf32, #tpu.memory_space<vmem>>, vector<16xf32>,
      tpu.vector_store %arg9[%swap3A], %add3A_55 {strides = array<i32>} : memref<16384xf32, #tpu.memory_space<vmem>>, vector<16xf32>,
      %mul3A_57 = arith.constant 4 : i32
      %mul3A_58 = arith.muli %scan3A_34, %mul3A_57 : i32
      %add3A_59 = arith.constant 1 : i32
      %add3A_60 = arith.addi %mul3A_58, %add3A_59 : i32
      %mul3A_61 = arith.constant 16 : i32
      %mul3A_62 = arith.muli %add3A_60, %mul3A_61 : i32
      %get3A_63 = arith.index_cast %mul3A_62 : i32 to index
      %get3A_64 = tpu.vector_load %arg6[%get3A_63] {strides = array<i32>} : memref<16384xi32, #tpu.memory_space<vmem>>, vector<16xi32>,
      %and3A_65 = arith.constant 65535 : i32
      %and3A_66 = vector.broadcast %and3A_65 : i32 to vector<16xi32>
      %and3A_67 = arith.andi %get3A_64, %and3A_66 : vector<16xi32>
      %shift_right_arithmetic3A_68 = arith.constant 16 : i32
      %shift_right_arithmetic3A_69 = vector.broadcast %shift_right_arithmetic3A_68 : i32 to vector<16xi32>
      %shift_right_arithmetic3A_70 = arith.shrsi %get3A_64, %shift_right_arithmetic3A_69 : vector<16xi32>
      %shift_right_arithmetic3A_71 = arith.constant 7 : i32
      %shift_right_arithmetic3A_72 = vector.broadcast %shift_right_arithmetic3A_71 : i32 to vector<16xi32>
      %shift_right_arithmetic3A_73 = arith.shrsi %and3A_67, %shift_right_arithmetic3A_72 : vector<16xi32>
      %and3A_74 = arith.constant 127 : i32
      %and3A_75 = vector.broadcast %and3A_74 : i32 to vector<16xi32>
      %and3A_76 = arith.andi %and3A_67, %and3A_75 : vector<16xi32>
      %gather3A_77 = tpu.vector_load_idx %arg7[%shift_right_arithmetic3A_73, %and3A_76] : memref<512x128xf32, #tpu.memory_space<vmem>>[vector<16xi32>, vector<16xi32>], vector<16xf32>,
      %gather3A_78 = tpu.vector_load_idx %arg8[%shift_right_arithmetic3A_70] : memref<16xf32, #tpu.memory_space<vmem>>[vector<16xi32>], vector<16xf32>,
      %add3A_79 = arith.addf %gather3A_77, %gather3A_78 : vector<16xf32>
      %swap3A_80 = arith.index_cast %mul3A_62 : i32 to index
      %swap3A_81 = tpu.vector_load %arg9[%swap3A_80] {strides = array<i32>} : memref<16384xf32, #tpu.memory_space<vmem>>, vector<16xf32>,
      tpu.vector_store %arg9[%swap3A_80], %add3A_79 {strides = array<i32>} : memref<16384xf32, #tpu.memory_space<vmem>>, vector<16xf32>,
      %mul3A_82 = arith.constant 4 : i32
      %mul3A_83 = arith.muli %scan3A_34, %mul3A_82 : i32
      %add3A_84 = arith.constant 2 : i32
      %add3A_85 = arith.addi %mul3A_83, %add3A_84 : i32
      %mul3A_86 = arith.constant 16 : i32
      %mul3A_87 = arith.muli %add3A_85, %mul3A_86 : i32
      %get3A_88 = arith.index_cast %mul3A_87 : i32 to index
      %get3A_89 = tpu.vector_load %arg6[%get3A_88] {strides = array<i32>} : memref<16384xi32, #tpu.memory_space<vmem>>, vector<16xi32>,
      %and3A_90 = arith.constant 65535 : i32
      %and3A_91 = vector.broadcast %and3A_90 : i32 to vector<16xi32>
      %and3A_92 = arith.andi %get3A_89, %and3A_91 : vector<16xi32>
      %shift_right_arithmetic3A_93 = arith.constant 16 : i32
      %shift_right_arithmetic3A_94 = vector.broadcast %shift_right_arithmetic3A_93 : i32 to vector<16xi32>
      %shift_right_arithmetic3A_95 = arith.shrsi %get3A_89, %shift_right_arithmetic3A_94 : vector<16xi32>
      %shift_right_arithmetic3A_96 = arith.constant 7 : i32
      %shift_right_arithmetic3A_97 = vector.broadcast %shift_right_arithmetic3A_96 : i32 to vector<16xi32>
      %shift_right_arithmetic3A_98 = arith.shrsi %and3A_92, %shift_right_arithmetic3A_97 : vector<16xi32>
      %and3A_99 = arith.constant 127 : i32
      %and3A_100 = vector.broadcast %and3A_99 : i32 to vector<16xi32>
      %and3A_101 = arith.andi %and3A_92, %and3A_100 : vector<16xi32>
      %gather3A_102 = tpu.vector_load_idx %arg7[%shift_right_arithmetic3A_98, %and3A_101] : memref<512x128xf32, #tpu.memory_space<vmem>>[vector<16xi32>, vector<16xi32>], vector<16xf32>,
      %gather3A_103 = tpu.vector_load_idx %arg8[%shift_right_arithmetic3A_95] : memref<16xf32, #tpu.memory_space<vmem>>[vector<16xi32>], vector<16xf32>,
      %add3A_104 = arith.addf %gather3A_102, %gather3A_103 : vector<16xf32>
      %swap3A_105 = arith.index_cast %mul3A_87 : i32 to index
      %swap3A_106 = tpu.vector_load %arg9[%swap3A_105] {strides = array<i32>} : memref<16384xf32, #tpu.memory_space<vmem>>, vector<16xf32>,
      tpu.vector_store %arg9[%swap3A_105], %add3A_104 {strides = array<i32>} : memref<16384xf32, #tpu.memory_space<vmem>>, vector<16xf32>,
      %mul3A_107 = arith.constant 4 : i32
      %mul3A_108 = arith.muli %scan3A_34, %mul3A_107 : i32
      %add3A_109 = arith.constant 3 : i32
      %add3A_110 = arith.addi %mul3A_108, %add3A_109 : i32
      %mul3A_111 = arith.constant 16 : i32
      %mul3A_112 = arith.muli %add3A_110, %mul3A_111 : i32
      %get3A_113 = arith.index_cast %mul3A_112 : i32 to index
      %get3A_114 = tpu.vector_load %arg6[%get3A_113] {strides = array<i32>} : memref<16384xi32, #tpu.memory_space<vmem>>, vector<16xi32>,
      %and3A_115 = arith.constant 65535 : i32
      %and3A_116 = vector.broadcast %and3A_115 : i32 to vector<16xi32>
      %and3A_117 = arith.andi %get3A_114, %and3A_116 : vector<16xi32>
      %shift_right_arithmetic3A_118 = arith.constant 16 : i32
      %shift_right_arithmetic3A_119 = vector.broadcast %shift_right_arithmetic3A_118 : i32 to vector<16xi32>
      %shift_right_arithmetic3A_120 = arith.shrsi %get3A_114, %shift_right_arithmetic3A_119 : vector<16xi32>
      %shift_right_arithmetic3A_121 = arith.constant 7 : i32
      %shift_right_arithmetic3A_122 = vector.broadcast %shift_right_arithmetic3A_121 : i32 to vector<16xi32>
      %shift_right_arithmetic3A_123 = arith.shrsi %and3A_117, %shift_right_arithmetic3A_122 : vector<16xi32>
      %and3A_124 = arith.constant 127 : i32
      %and3A_125 = vector.broadcast %and3A_124 : i32 to vector<16xi32>
      %and3A_126 = arith.andi %and3A_117, %and3A_125 : vector<16xi32>
      %gather3A_127 = tpu.vector_load_idx %arg7[%shift_right_arithmetic3A_123, %and3A_126] : memref<512x128xf32, #tpu.memory_space<vmem>>[vector<16xi32>, vector<16xi32>], vector<16xf32>,
      %gather3A_128 = tpu.vector_load_idx %arg8[%shift_right_arithmetic3A_120] : memref<16xf32, #tpu.memory_space<vmem>>[vector<16xi32>], vector<16xf32>,
      %add3A_129 = arith.addf %gather3A_127, %gather3A_128 : vector<16xf32>
      %swap3A_130 = arith.index_cast %mul3A_112 : i32 to index
      %swap3A_131 = tpu.vector_load %arg9[%swap3A_130] {strides = array<i32>} : memref<16384xf32, #tpu.memory_space<vmem>>, vector<16xf32>,
      tpu.vector_store %arg9[%swap3A_130], %add3A_129 {strides = array<i32>} : memref<16384xf32, #tpu.memory_space<vmem>>, vector<16xf32>,
    }
    %scan3A_33 = arith.constant 256 : i32
    "tpu.region"() ({
      %run_scoped3A = tpu.sem_alloc : memref<!tpu.dma_semaphore, #tpu.memory_space<semaphore_mem>>
      %dma_start3A_34 = arith.constant 0 : i32
      %dma_start3A_35 = tpu.memref_slice %arg5[%add3A, %dma_start3A_34] : memref<32x16384xf32, #tpu.memory_space<hbm>> -> memref<1x16384xf32, #tpu.memory_space<hbm>>
      %dma_start3A_36 = tpu.memref_squeeze %dma_start3A_35 : memref<1x16384xf32, #tpu.memory_space<hbm>> -> memref<16384xf32, #tpu.memory_space<hbm>>
      %dma_start3A_37 = arith.constant 0 : i32
      %dma_start3A_38 = tpu.memref_slice %arg5[%add3A, %dma_start3A_37] : memref<32x16384xf32, #tpu.memory_space<hbm>> -> memref<1x16384xf32, #tpu.memory_space<hbm>>
      %dma_start3A_39 = tpu.memref_squeeze %dma_start3A_38 : memref<1x16384xf32, #tpu.memory_space<hbm>> -> memref<16384xf32, #tpu.memory_space<hbm>>
      tpu.enqueue_dma source(%arg9 : memref<16384xf32, #tpu.memory_space<vmem>>) target(%dma_start3A_39 : memref<16384xf32, #tpu.memory_space<hbm>>) target_semaphore(%run_scoped3A : memref<!tpu.dma_semaphore, #tpu.memory_space<semaphore_mem>>)
      %dma_wait3A_40 = arith.constant 0 : i32
      %dma_wait3A_41 = tpu.memref_slice %arg5[%add3A, %dma_wait3A_40] : memref<32x16384xf32, #tpu.memory_space<hbm>> -> memref<1x16384xf32, #tpu.memory_space<hbm>>
      %dma_wait3A_42 = tpu.memref_squeeze %dma_wait3A_41 : memref<1x16384xf32, #tpu.memory_space<hbm>> -> memref<16384xf32, #tpu.memory_space<hbm>>
      %dma_wait3A_43 = arith.constant 0 : i32
      %dma_wait3A_44 = tpu.memref_slice %arg5[%add3A, %dma_wait3A_43] : memref<32x16384xf32, #tpu.memory_space<hbm>> -> memref<1x16384xf32, #tpu.memory_space<hbm>>
      %dma_wait3A_45 = tpu.memref_squeeze %dma_wait3A_44 : memref<1x16384xf32, #tpu.memory_space<hbm>> -> memref<16384xf32, #tpu.memory_space<hbm>>
      tpu.wait_dma2 semaphore(%run_scoped3A : memref<!tpu.dma_semaphore, #tpu.memory_space<semaphore_mem>>) src(%arg9 : memref<16384xf32, #tpu.memory_space<vmem>>) dst(%dma_wait3A_45 : memref<16384xf32, #tpu.memory_space<hbm>>)
      tpu.yield
    }) : () -> ()
    return
  }
}

</mosaic_0001>

<sc_bundles>
// kernel: _compositional_embedding.3.cloned.1.call-start
scs
__scs_entry_jumppad:
0x0: {  	(pc) =	sbr.rel $0x88, $3  }
0x1: {  	(tag) =	ssettag $0x0;
	lr =	simm.s32 $0x1  }
0x2: {  	[smem:$0x3F9F] =	sst lr;
	_ =	strace $0xD0000000  }
0x3: {  	_ = 	snop  }
0x4: {  	_ = 	snop  }
0x5: {  	_ = 	snop  }
0x6: {  	_ = 	snop  }
0x7: {  	_ = 	snop  }
__scs_overlays_trampoline_lowered:
0x8: {  	[smem:$0x3FAE] =	sst s0  }
0x9: {  	[smem:$0x3FAF] =	sst s1  }
0xa: {  	[smem:$0x3FB0] =	sst s2  }
0xb: {  	[smem:$0x3FB1] =	sst s3  }
0xc: {  	[smem:$0x3FB2] =	sst s4  }
0xd: {  	[smem:$0x3FB3] =	sst s5  }
0xe: {  	[smem:$0x3FB4] =	sst s6  }
0xf: {  	[smem:$0x3FB5] =	sst s7  }
0x10: {  	[smem:$0x3FB6] =	sst s8  }
0x11: {  	[smem:$0x3FB7] =	sst s9;
	s0 =	simm.s32 @!p0 $0x0  }
0x12: {  	s1 =	sld [smem:$0x3F9D];
	s0 =	simm.s32 @p0 $0x1  }
0x13: {  	[smem:$0x3FB8] =	sst s0;
	s0 =	simm.s32 @!p1 $0x0  }
0x14: {  	s2 =	sld [smem:$0x3F9C];
	s0 =	simm.s32 @p1 $0x1  }
0x15: {  	[smem:$0x3FB9] =	sst s0;
	s0 =	simm.s32 @!p2 $0x0  }
0x16: {  	s3 =	sld [smem:$0x3FDB];
	s0 =	simm.s32 @p2 $0x1  }
0x17: {  	s4 =	simm.s32 $0x1BF5;
	[smem:$0x3FBB] =	sst s0  }
0x18: {  	s0 =	sld [smem:$0x3F9E];
	_ =	swait.ge [sflag:s4], $0x0  }
0x19: {  	s7 =	sld [smem:$0x3F9F]  }
0x1a: {  	s8 =	sadd.s32 $0xFFFFE003, lr  }
0x1b: {  	s9 =	sadd.s32 $0xFFFFFEF7, lr;
	s5 =	simm.s32 $0xFFFFFFFF;
	p2 =	slt.u32 s8, $0xFFFFF086  }
0x1c: {  	p1 =	slt.u32 s9, $0xF7A;
	s5 =	simm.s32 @!p2 $0x0  }
0x1d: {  	s5 =	simm.s32 @p1 $0x1;
	p0 =	seq.s32 s7, s2  }
0x1e: {  	s7 =	smul.u32 @!p0 $0xF7A, s2;
	p2 =	seq.s32 @!p0 s5, $0x0  }
0x1f: {  	s9 =	smul.u32 $0xF7A, s1;
	s8 =	simm.s32 @!p0 $0x1BF5;
	p2 =	por !p2, p0  }
0x20: {  	[sflag:s8] =	ssyncset.s32 @!p0 $0xFFFFF086;
	s6 =	sadd.s32 @!p0 s3, s7;
	s7 =	simm.s32 @!p0 $0x108  }
0x21: {  	s3 =	sadd.s32 s3, s9;
	s6 =	sadd.s32 @!p0 $0x88, s6;
	s7 =	simm.s32 @p2 $0x1082  }
0x22: {  	[simem:s7], [sflag:s8] =	dma.local @!p0 [hbm:s6], $0xF7A  }
0x23: {  	s9 =	sor.u32 $0xD0000000, s2;
	s6 =	simm.s32 $0x108;
	_ =	swait.ge @!p0 [sflag:s8], $0x0  }
0x24: {  	s3 =	sadd.s32 $0x88, s3;
	s6 =	simm.s32 @!p1 $0x1082;
	[sflag:s4] =	ssyncset.s32 $0xFFFFF086  }
0x25: {  	[simem:s6], [sflag:s4] =	dma.local [hbm:s3], $0xF7A  }
0x26: {  	[smem:$0x3F9F] =	sst s1;
	(tag) =	ssettag s2;
	_ =	strace s9  }
0x27: {  	s1 =	sld [smem:$0x3FAF]  }
0x28: {  	s2 =	sld [smem:$0x3FB0]  }
0x29: {  	s4 =	sld [smem:$0x3FB2]  }
0x2a: {  	p0 =	seq.s32 s5, $0x0;
	s5 =	sld [smem:$0x3FB3]  }
0x2b: {  	s6 =	sld [smem:$0x3FB4]  }
0x2c: {  	s7 =	sld [smem:$0x3FB5]  }
0x2d: {  	s3 =	simm.s32 $0x108;
	s8 =	sld [smem:$0x3FB6]  }
0x2e: {  	s3 =	simm.s32 @!p0 $0x1082;
	s9 =	sld [smem:$0x3FB7]  }
0x2f: {  	lr =	sadd.s32 s0, s3;
	s0 =	sld [smem:$0x3FAE]  }
0x30: {  	s3 =	sld [smem:$0x3FB1]  }
0x31: {  	[smem:$0x3FBA] =	sst s10  }
0x32: {  	s10 =	sld [smem:$0x3FB8];
	_ =	sdelay $0x3  }
0x33: {  	p0 =	seq.s32 s10, $0x1;
	s10 =	sld [smem:$0x3FBA];
	_ =	sdelay $0x3  }
0x34: {  	[smem:$0x3FBA] =	sst s10  }
0x35: {  	s10 =	sld [smem:$0x3FB9];
	_ =	sdelay $0x3  }
0x36: {  	p1 =	seq.s32 s10, $0x1;
	s10 =	sld [smem:$0x3FBA];
	_ =	sdelay $0x3  }
0x37: {  	[smem:$0x3FBA] =	sst s10  }
0x38: {  	s10 =	sld [smem:$0x3FBB]  }
0x39: {  	_ = 	snop;
	(pc) =	sbr.ind lr, $3  }
0x3a: {  	_ = 	snop  }
0x3b: {  	_ = 	snop  }
0x3c: {  	p2 =	seq.s32 s10, $0x1;
	s10 =	sld [smem:$0x3FBA]  }
0x3d: {  	_ =	shalt  }
0x3e: {  	_ =	shalt  }
0x3f: {  	_ =	shalt  }
0x40: {  	_ =	shalt  }
0x41: {  	_ =	shalt  }
0x42: {  	_ =	shalt  }
0x43: {  	_ =	shalt  }
0x44: {  	_ =	shalt  }
0x45: {  	_ =	shalt  }
0x46: {  	_ =	shalt  }
0x47: {  	_ =	shalt  }
0x48: {  	_ =	shalt  }
0x49: {  	_ =	shalt  }
0x4a: {  	_ =	shalt  }
0x4b: {  	_ =	shalt  }
0x4c: {  	_ =	shalt  }
0x4d: {  	_ =	shalt  }
0x4e: {  	_ =	shalt  }
0x4f: {  	_ =	shalt  }
0x50: {  	_ =	shalt  }
0x51: {  	_ =	shalt  }
0x52: {  	_ =	shalt  }
0x53: {  	_ =	shalt  }
0x54: {  	_ =	shalt  }
0x55: {  	_ =	shalt  }
0x56: {  	_ =	shalt  }
0x57: {  	_ =	shalt  }
0x58: {  	_ =	shalt  }
0x59: {  	_ =	shalt  }
0x5a: {  	_ =	shalt  }
0x5b: {  	_ =	shalt  }
0x5c: {  	_ =	shalt  }
0x5d: {  	_ =	shalt  }
0x5e: {  	_ =	shalt  }
0x5f: {  	_ =	shalt  }
0x60: {  	_ =	shalt  }
0x61: {  	_ =	shalt  }
0x62: {  	_ =	shalt  }
0x63: {  	_ =	shalt  }
0x64: {  	_ =	shalt  }
0x65: {  	_ =	shalt  }
0x66: {  	_ =	shalt  }
0x67: {  	_ =	shalt  }
0x68: {  	_ =	shalt  }
0x69: {  	_ =	shalt  }
0x6a: {  	_ =	shalt  }
0x6b: {  	_ =	shalt  }
0x6c: {  	_ =	shalt  }
0x6d: {  	_ =	shalt  }
0x6e: {  	_ =	shalt  }
0x6f: {  	_ =	shalt  }
0x70: {  	_ =	shalt  }
0x71: {  	_ =	shalt  }
0x72: {  	_ =	shalt  }
0x73: {  	_ =	shalt  }
0x74: {  	_ =	shalt  }
0x75: {  	_ =	shalt  }
0x76: {  	_ =	shalt  }
0x77: {  	_ =	shalt  }
0x78: {  	_ =	shalt  }
0x79: {  	_ =	shalt  }
0x7a: {  	_ =	shalt  }
0x7b: {  	_ =	shalt  }
0x7c: {  	_ =	shalt  }
0x7d: {  	_ =	shalt  }
0x7e: {  	_ =	shalt  }
0x7f: {  	_ =	shalt  }
0x80: {  	_ =	shalt  }
0x81: {  	_ =	shalt  }
0x82: {  	_ =	shalt  }
0x83: {  	_ =	shalt  }
0x84: {  	_ =	shalt  }
0x85: {  	_ =	shalt  }
0x86: {  	_ =	shalt  }
0x87: {  	_ =	shalt  }
.Lfunc_end0:
.L_simem_size_0:
called_computation_lowered:
.L_overlay_start_0:
0x88: {  	s2 =	sld [smem:$0x3FD9]  }
0x89: {  	s3 =	sld [smem:$0x3FFE];
	_ =	sdelay $0x1  }
0x8a: {  	s1 =	srdreg.scid  }
0x8b: {  	s0 =	sand.u32 $0x1, s1  }
0x8c: {  	s17 =	sshll.u32 s0, $0xA;
	s2 =	sadd.s32 s3, s2  }
0x8d: {  	s2 =	sadd.s32 s2, s17  }
0x8e: {  	[smem:$0x3FC6] =	sst s2  }
0x8f: {  	_ = 	snop  }
0x90: {  	s2 =	sld [smem:$0x3FC9]  }
0x91: {  	s18 =	sld [smem:$0x3FD0];
	(tm) =	ssettm $0x1  }
0x92: {  	s4 =	sld [smem:$0x3FFB];
	_ =	sdelay $0x3  }
0x93: {  	_ =	strace s4  }
0x94: {  	s4 =	sld [smem:$0x3FFC];
	_ =	sdelay $0x3  }
0x95: {  	_ =	strace s4  }
0x96: {  	s4 =	sld [smem:$0x3FFD];
	_ =	sdelay $0x3  }
0x97: {  	_ =	strace s4  }
0x98: {  	_ =	strace $0x8FFFFFFF  }
0x99: {  	s19 =	sld [smem:$0x3FDB];
	_ =	sdelay $0x1  }
0x9a: {  	s5 =	simm.s32 $_scs_section_size  }
0x9b: {  	s6 =	simm.s32 $_size__tile_overlayer_lowered;
	s7 =	simm.s32 $_tile_overlayer_lowered  }
0x9c: {  	s22 =	simm.s32 $0x1BFF;
	s21 =	sshll.u32 s7, $0x1;
	s4 =	sadd.s32 s5, s19  }
0x9d: {  	s8 =	simm.s32 $0x0;
	s20 =	sshll.u32 s6, $0x1;
	s6 =	sadd.s32 s21, s4  }
0x9e: {  	[timem:s8], [sflag:s22] =	dma.local [hbm:s6], s20  }
0x9f: {  	_ =	swait.ge [sflag:s22], s20  }
0xa0: {  	s5 =	ssub.s32 $0x0, s20;
	[sflag:s22] =	ssyncset.done $0x0  }
0xa1: {  	[sflag:s22] =	ssyncadd.s32 s5;
	_ =	sdelay $0x1  }
0xa2: {  	s23 =	simm.s32 $0x1B8B  }
0xa3: {  	_ =	swait.ge [sflag:s23], $0x1  }
0xa4: {  	[sflag:s23] =	ssyncset.done $0x0  }
0xa5: {  	s25 =	simm.s32 $0x1B8E;
	s24 =	sld [smem:$0x3FFE];
	[sflag:s23] =	ssyncadd.s32 $0xFFFFFFFF  }
0xa6: {  	s26 =	simm.s32 $execute0_lowered;
	[smem:$0x3FD2] =	sst s25  }
0xa7: {  	s6 =	sshll.u32 s26, $0x1;
	_ =	strace $0x80000046;
	[dreg:$0x1] =	wrdreg $0xFFFFFFFF  }
0xa8: {  	s28 =	simm.s32 $_size_execute0_lowered;
	s4 =	sadd.s32 s4, s6;
	[dreg:$0x0] =	wrdreg $0x0  }
0xa9: {  	s6 =	sshll.u32 s28, $0x1;
	[dreg:$0x2] =	wrdreg s4  }
0xaa: {  	[dreg:$0x3] =	wrdreg s6  }
0xab: {  	[dreg:$0x4] =	wrdreg $0xC0  }
0xac: {  	_ =	task [dreg:s8], $0x5FFFF  }
0xad: {  	[dreg:$0x1] =	wrdreg $0xFFFFFFFF  }
0xae: {  	[dreg:$0x0] =	wrdreg $0x60  }
0xaf: {  	[dreg:$0x2] =	wrdreg s2  }
0xb0: {  	[dreg:$0x3] =	wrdreg s24  }
0xb1: {  	[dreg:$0x4] =	wrdreg s18  }
0xb2: {  	[dreg:$0x5] =	wrdreg $0x9  }
0xb3: {  	_ =	task.clear_ibuf [dreg:s8], $0x6FFFF;
	_ =	strace $0x90000046  }
0xb4: {  	s29 =	simm.s32 $0x9;
	_ =	strace $0x80000048  }
0xb5: {  	_ =	swait.ge [sflag:s29], $0x1  }
0xb6: {  	[sflag:s29] =	ssyncadd.s32 $0xFFFFFFFF  }
0xb7: {  	_ =	strace $0x90000048  }
0xb8: {  	_ =	sfence  }
0xb9: {  	s30 =	sld [smem:$0x0];
	_ =	sdelay $0x2  }
0xba: {  	s31 =	sshll.u32 s1, $0xD;
	s1 =	sshrl.u32 s1, $0x2  }
0xbb: {  	s3 =	sand.u32 $0x4000, s31;
	s1 =	sadd.s32 s1, s30  }
0xbc: {  	s0 =	sor.u32 s3, s0;
	s1 =	sshll.u32 s1, $0x11  }
0xbd: {  	s0 =	sor.u32 s1, s0  }
0xbe: {  	s0 =	sadd.s32 $0x8F2B, s0  }
0xbf: {  	[sflag:s0] =	ssyncadd.remote.s32 $0x1  }
0xc0: {  	_ =	sfence.sel $0xFFFF  }
0xc1: {  	[dreg:$0x0] =	wrdreg $0xFFFFFFFF;
	(pc) =	sbr.abs _section_cstart, $3  }
0xc2: {  	[dreg:$0x1] =	wrdreg $0xFFFFFFFF  }
0xc3: {  	_ =	task.clear_ibuf [dreg:s8], $0x2FFFF;
	_ =	strace $0x9FFFFFFF  }
0xc4: {  	(tm) =	ssettm $0x7FFFFFFF  }
0xc5: {  	_ =	shalt  }
tec
execute0_lowered:
.L_overlay_start_1:
0x0: {  	(tag) =	ssettag $0x1  }
0x1: {  	s1 =	rddreg [dreg:$0x0]  }
0x2: {  	s4 =	rddreg [dreg:$0x1]  }
0x3: {  	s5 =	rddreg [dreg:$0x2]  }
0x4: {  	s0 =	rddreg [dreg:$0x3];
	s3 =	simm.s32 $0x0;
	s2 =	stileid.u32  }
0x5: {  	s7 =	srdreg.scid;
	s11 =	simm.s32 $0x14000;
	s12 =	simm.s32 $0x1  }
0x6: {  	s13 =	simm.s32 $0x14010;
	s14 =	simm.s32 $0x2;
	s15 =	simm.s32 $0x0  }
0x7: {  	[smem:$0x7FF] =	sst s3;
	s6 =	sshll.u32 s2, $0xE;
	s7 =	sand.u32 $0x1, s7  }
0x8: {  	s8 =	sshll.u32 s2, $0x1;
	s6 =	sand.u32 $0x30000, s6;
	_ =	strace $0x80000047  }
0x9: {  	s8 =	sor.u32 s7, s8;
	s7 =	ssub.s32 $0x2, s7;
	s6 =	sadd.s32 s6, s4  }
0xa: {  	s9 =	sshll.u32 s8, $0xB;
	s10 =	sshll.u32 s8, $0x4;
	s29 =	sshrl.u32 s7, $0x1  }
0xb: {  	s31 =	sshll.u32 s8, $0x1;
	s8 =	simm.s32 $0x80;
	s9 =	sadd.s32 s9, s4  }
0xc: {  	s10 =	sand.u32 $0x70, s10;
	s7 =	ssub.s32 s7, s29;
	s5 =	sadd.s32 s5, s31  }
0xd: {  	s30 =	sadd.s32 s10, s6;
	s6 =	sadd.s32 $0x40400, s9;
	s7 =	smax.u32 s7, $0x1  }
0xe: {  	s9 =	simm.s32 $0x400;
	s10 =	simm.s32 $0x4000;
	s4 =	sadd.s32 $0x400, s30  }
.LBB2_1:
0xf: {  	[tilespmem:s3], [sflag:$0x1] =	stream.linear.gather [hbm4b:s1+s3], $0x4000, $0x38;
	[tilespmem:$0x18010] =	vst v63  }
0x10: {  	_ = 	snop  }
0x11: {  	[tilespmem:s10], [sflag:$0x1] =	stream.strided.gather [hbm4b:s4+s8], $0x10000, s9, s8, $0x38;
	[tilespmem:$0x18010] =	vst v63  }
0x12: {  	_ = 	snop  }
0x13: {  	[tilespmem:s11], [sflag:$0x1] =	stream.linear.gather [hbm4b:s5+s3], $0x10, $0x38;
	[tilespmem:$0x18010] =	vst v63  }
0x14: {  	_ =	swait.ge [sflag:s12], $0x4000  }
0x15: {  	[sflag:s12] =	ssyncset.done $0x0  }
0x16: {  	[sflag:s12] =	ssyncadd.s32 $0xFFFFC000  }
0x17: {  	_ =	swait.ge [sflag:s12], $0x10000  }
0x18: {  	[sflag:s12] =	ssyncset.done $0x0  }
0x19: {  	[sflag:s12] =	ssyncadd.s32 $0xFFFF0000  }
0x1a: {  	_ =	swait.ge [sflag:s12], $0x10  }
0x1b: {  	[sflag:s12] =	ssyncset.done $0x0  }
0x1c: {  	s16 =	simm.s32 $0x0;
	[sflag:s12] =	ssyncadd.s32 $0xFFFFFFF0  }
0x1d: {  	v0 =	vld [tilespmem:s16+$0x0];
	_ =	sdelay $0x4  }
0x1e: {  	v1 =	vand.u32 $0xFFFF, v0  }
0x1f: {  	v0 =	vshra.s32 v0, $0x10;
	_ =	sdelay $0x2  }
0x20: {  	v2 =	vld [tilespmem:s16+$0x10]  }
0x21: {  	v1 =	vld.idx.msk [tilespmem:v1+s10+$0x0], $0xffff  }
0x22: {  	v0 =	vld.idx.msk [tilespmem:v0+s11+$0x0], $0xffff;
	_ =	sdelay $0x2  }
0x23: {  	v3 =	vand.u32 $0xFFFF, v2  }
0x24: {  	v2 =	vshra.s32 v2, $0x10  }
0x25: {  	v0 =	vadd.f32 v0, v1;
	_ =	sdelay $0x1  }
0x26: {  	v4 =	vld [tilespmem:s16+$0x20];
	[tilespmem:s16+$0x14010] =	vst v0  }
0x27: {  	v0 =	vld.idx.msk [tilespmem:v3+s10+$0x0], $0xffff  }
0x28: {  	v2 =	vld.idx.msk [tilespmem:v2+s11+$0x0], $0xffff;
	_ =	sdelay $0x2  }
0x29: {  	v3 =	vand.u32 $0xFFFF, v4  }
0x2a: {  	v4 =	vshra.s32 v4, $0x10  }
0x2b: {  	v0 =	vadd.f32 v2, v0;
	_ =	sdelay $0x1  }
0x2c: {  	v1 =	vld [tilespmem:s16+$0x30];
	[tilespmem:s16+$0x14020] =	vst v0  }
0x2d: {  	v0 =	vld.idx.msk [tilespmem:v3+s10+$0x0], $0xffff  }
0x2e: {  	v2 =	vld.idx.msk [tilespmem:v4+s11+$0x0], $0xffff;
	_ =	sdelay $0x2  }
0x2f: {  	v3 =	vshra.s32 v1, $0x10  }
0x30: {  	v1 =	vand.u32 $0xFFFF, v1  }
0x31: {  	v0 =	vadd.f32 v2, v0  }
0x32: {  	s18 =	simm.s32 $0x40  }
0x33: {  	v2 =	vld [tilespmem:s18+$0x0];
	[tilespmem:s16+$0x14030] =	vst v0  }
0x34: {  	v3 =	vld.idx.msk [tilespmem:v3+s11+$0x0], $0xffff  }
0x35: {  	v4 =	vld.idx.msk [tilespmem:v1+s10+$0x0], $0xffff  }
0x36: {  	v1 =	vld [tilespmem:s18+$0x10]  }
0x37: {  	s17 =	simm.s32 $0x200;
	v0 =	vld [tilespmem:s18+$0x20]  }
.LBB2_2:
0x38: {  	p0 =	sne.s32 s17, $0xFF00;
	v5 =	vld [tilespmem:s18+$0x30];
	s19 =	smov.u32 s17;
	s17 =	sadd.s32 $0x100, s17  }
0x39: {  	v6 =	vshra.s32 v2, $0x10;
	v2 =	vand.u32 $0xFFFF, v2;
	_ =	sdelay $0x1  }
0x3a: {  	v3 =	vadd.f32 v3, v4;
	_ =	sdelay $0x1  }
0x3b: {  	[tilespmem:s16+$0x14040] =	vst v3;
	s16 =	smov.u32 s18  }
0x3c: {  	v2 =	vld.idx.msk [tilespmem:v2+s10+$0x0], $0xffff  }
0x3d: {  	v3 =	vld.idx.msk [tilespmem:v6+s11+$0x0], $0xffff;
	_ =	sdelay $0x3  }
0x3e: {  	v4 =	vand.u32 $0xFFFF, v1  }
0x3f: {  	v1 =	vshra.s32 v1, $0x10  }
0x40: {  	v2 =	vadd.f32 v3, v2;
	_ =	sdelay $0x1  }
0x41: {  	[tilespmem:s16+$0x14010] =	vst v2  }
0x42: {  	v2 =	vld.idx.msk [tilespmem:v4+s10+$0x0], $0xffff  }
0x43: {  	v1 =	vld.idx.msk [tilespmem:v1+s11+$0x0], $0xffff;
	_ =	sdelay $0x3  }
0x44: {  	v3 =	vand.u32 $0xFFFF, v0  }
0x45: {  	v0 =	vshra.s32 v0, $0x10  }
0x46: {  	v1 =	vadd.f32 v1, v2;
	_ =	sdelay $0x1  }
0x47: {  	[tilespmem:s16+$0x14020] =	vst v1  }
0x48: {  	v1 =	vld.idx.msk [tilespmem:v3+s10+$0x0], $0xffff  }
0x49: {  	v0 =	vld.idx.msk [tilespmem:v0+s11+$0x0], $0xffff;
	_ =	sdelay $0x3  }
0x4a: {  	v4 =	vand.u32 $0xFFFF, v5;
	v3 =	vshra.s32 v5, $0x10;
	_ =	sdelay $0x1  }
0x4b: {  	v0 =	vadd.f32 v0, v1  }
0x4c: {  	s18 =	sshra.s32 s19, $0x2  }
.Ltmp0:
0x4d: {  	v2 =	vld [tilespmem:s18+$0x0];
	[tilespmem:s16+$0x14030] =	vst v0;
	(pc) =	sbr.rel @p0 .LBB2_2-.Ltmp0, $4  }
0x4e: {  	v3 =	vld.idx.msk [tilespmem:v3+s11+$0x0], $0xffff  }
0x4f: {  	v4 =	vld.idx.msk [tilespmem:v4+s10+$0x0], $0xffff  }
0x50: {  	v1 =	vld [tilespmem:s18+$0x10]  }
0x51: {  	v0 =	vld [tilespmem:s18+$0x20]  }
0x52: {  	v5 =	vand.u32 $0xFFFF, v2  }
0x53: {  	v55 =	vshra.s32 v2, $0x10  }
0x54: {  	v3 =	vadd.f32 v3, v4;
	_ =	sdelay $0x1  }
0x55: {  	v56 =	vld [tilespmem:s18+$0x30];
	[tilespmem:s16+$0x14040] =	vst v3  }
0x56: {  	v3 =	vld.idx.msk [tilespmem:v5+s10+$0x0], $0xffff  }
0x57: {  	v2 =	vld.idx.msk [tilespmem:v55+s11+$0x0], $0xffff;
	_ =	sdelay $0x2  }
0x58: {  	v57 =	vand.u32 $0xFFFF, v1  }
0x59: {  	v58 =	vshra.s32 v1, $0x10  }
0x5a: {  	v2 =	vadd.f32 v2, v3;
	_ =	sdelay $0x1  }
0x5b: {  	[tilespmem:s18+$0x14010] =	vst v2  }
0x5c: {  	v2 =	vld.idx.msk [tilespmem:v57+s10+$0x0], $0xffff  }
0x5d: {  	v1 =	vld.idx.msk [tilespmem:v58+s11+$0x0], $0xffff;
	_ =	sdelay $0x2  }
0x5e: {  	v59 =	vand.u32 $0xFFFF, v0  }
0x5f: {  	v60 =	vshra.s32 v0, $0x10  }
0x60: {  	v1 =	vadd.f32 v1, v2;
	_ =	sdelay $0x1  }
0x61: {  	[tilespmem:s18+$0x14020] =	vst v1  }
0x62: {  	v1 =	vld.idx.msk [tilespmem:v59+s10+$0x0], $0xffff  }
0x63: {  	v0 =	vld.idx.msk [tilespmem:v60+s11+$0x0], $0xffff;
	_ =	sdelay $0x2  }
0x64: {  	v61 =	vshra.s32 v56, $0x10  }
0x65: {  	v62 =	vand.u32 $0xFFFF, v56  }
0x66: {  	v0 =	vadd.f32 v0, v1;
	_ =	sdelay $0x1  }
0x67: {  	[tilespmem:s18+$0x14030] =	vst v0  }
0x68: {  	v0 =	vld.idx.msk [tilespmem:v61+s11+$0x0], $0xffff  }
0x69: {  	v63 =	vld.idx.msk [tilespmem:v62+s10+$0x0], $0xffff;
	_ =	sdelay $0x4  }
0x6a: {  	s15 =	sadd.s32 $0x1, s15;
	v0 =	vadd.f32 v0, v63  }
0x6b: {  	p0 =	sne.s32 s15, s7  }
.Ltmp1:
0x6c: {  	[tilespmem:s18+$0x14040] =	vst v0;
	(pc) =	sbr.rel @p0 .LBB2_1-.Ltmp1, $4  }
0x6d: {  	[hbm4b:s6+s3] =	stream.linear.scatter [tilespmem:s13], [sflag:$0x2], $0x4000, $0x38;
	[tilespmem:$0x18010] =	vst v63  }
0x6e: {  	_ =	swait.ge [sflag:s14], $0x4000  }
0x6f: {  	[sflag:s14] =	ssyncset.done $0x0  }
0x70: {  	[sflag:s14] =	ssyncadd.s32 $0xFFFFC000  }
0x71: {  	_ =	sfence.sel $0x180000  }
0x72: {  	[bflag:$0x0] =	sbarrier.arrive $0xFFFF  }
0x73: {  	p0 =	sne.s32 s2, $0x0;
	_ =	strace $0x90000047  }
0x74: {  	s0 =	sadd.s32 @!p0 $0x100000, s0;
	[bflag:$0x2] =	sbarrier.arrive $0xFFFF  }
0x75: {  	[sflag:s0] =	ssyncadd.tile.s32 @!p0 $0x1;
	_ =	shalt  }
.Lfunc_end2:
_tile_overlayer_lowered:
.L_overlay_start_2:
0x76: {  	(tag) =	ssettag $0x2  }
0x77: {  	s0 =	rddreg [dreg:$0x0];
	s2 =	stileid.u32  }
0x78: {  	s1 =	rddreg [dreg:$0x1];
	p0 =	sne.s32 s2, $0x0  }
0x79: {  	s3 =	rddreg [dreg:$0x2];
	[bflag:$0x3] =	sbarrier.arrive $0xFFFF;
	s2 =	simm.s32 @!p0 $0x1C02  }
0x7a: {  	[timem:s3], [sflag:s2] =	dma.local @!p0 [hbm:s0], s1  }
0x7b: {  	s0 =	simm.s32 @!p0 $0x2  }
0x7c: {  	_ =	swait.ge @!p0 [sflag:s0], s1  }
0x7d: {  	s1 =	ssub.s32 @!p0 $0x0, s1;
	[sflag:s0] =	ssyncset.done @!p0 $0x0  }
0x7e: {  	[sflag:s0] =	ssyncadd.s32 @!p0 s1  }
0x7f: {  	[bflag:$0x3] =	sbarrier.arrive $0xFFFF  }
0x80: {  	_ =	shalt  }

</sc_bundles>
